<compile_context>
chip_gen: v7x
topology: tpu7x:2x2x1
jax: 0.10.2.dev20260603
libtpu: 0.0.44.dev20260713+nightly
codegen_flags: <defaults>
</compile_context>

<pallas_src>
import functools

import jax
import jax.numpy as jnp
from jax import lax
from jax.experimental import pallas as pl
from jax.experimental.pallas import tpu as pltpu
from jax.experimental.pallas import tpu_sc as plsc

_NUM_CLASSES = 64
_LANES = 16


def _unique_labels_sc(d_train1):
    n = d_train1.shape[0]
    mesh = plsc.VectorSubcoreMesh(core_axis_name="c", subcore_axis_name="s", num_cores=1)

    @functools.partial(
        pl.kernel,
        mesh=mesh,
        out_type=jax.ShapeDtypeStruct((_NUM_CLASSES,), jnp.int32),
        scratch_types=[
            pltpu.VMEM((n,), jnp.int32),
            pltpu.VMEM((_NUM_CLASSES,), jnp.int32),
            pltpu.VMEM((_NUM_CLASSES,), jnp.int32),
        ],
        compiler_params=pltpu.CompilerParams(needs_layout_passes=False),
    )
    def uniq_kernel(d_hbm, u_hbm, d_v, pres_v, u_v):
        cid = lax.axis_index("c")
        sid = lax.axis_index("s")

        @pl.when(jnp.logical_and(cid == 0, sid == 0))
        def _():
            pltpu.sync_copy(d_hbm, d_v)
            zeros = jnp.zeros((_LANES,), jnp.int32)
            ones = jnp.ones((_LANES,), jnp.int32)
            for i in range(_NUM_CLASSES // _LANES):
                pres_v[pl.ds(i * _LANES, _LANES)] = zeros
                u_v[pl.ds(i * _LANES, _LANES)] = zeros

            def mark(i, carry):
                lbl = d_v[pl.ds(i * _LANES, _LANES)]
                plsc.store_scatter(pres_v, [lbl], ones)
                return carry

            lax.fori_loop(0, n // _LANES, mark, 0)

            off = jnp.zeros((), jnp.int32)
            for i in range(_NUM_CLASSES // _LANES):
                p = pres_v[pl.ds(i * _LANES, _LANES)]
                rank = plsc.cumsum(p) - 1 + off
                vals = lax.iota(jnp.int32, _LANES) + (i * _LANES)
                plsc.store_scatter(u_v, [rank], vals, mask=p > 0)
                off = off + jnp.sum(p)
            pltpu.sync_copy(u_v, u_hbm)

    return uniq_kernel(d_train1)


def _fused_tc(similarities, d_train1):
    b, n = similarities.shape
    c = _NUM_CLASSES
    bm = 1024

    d2 = d_train1.reshape(1, n)

    def body(s_ref, d_ref, seg_ref):
        e = jnp.exp(s_ref[...])
        onehot = (lax.broadcasted_iota(jnp.int32, (c, n), 0)
                  == d_ref[...]).astype(jnp.float32)
        seg_ref[...] = lax.dot_general(e, onehot, (((1,), (1,)), ((), ())),
                                       preferred_element_type=jnp.float32)

    return pl.pallas_call(
        body,
        grid=(b // bm,),
        in_specs=[
            pl.BlockSpec((bm, n), lambda i: (i, 0)),
            pl.BlockSpec((1, n), lambda i: (0, 0)),
        ],
        out_specs=pl.BlockSpec((bm, c), lambda i: (i, 0)),
        out_shape=jax.ShapeDtypeStruct((b, c), jnp.float32),
    )(similarities, d2)


def _permute_log_tc(seg, u):
    b, c = seg.shape
    bm = 2048
    u2 = u.reshape(1, c)

    def body(seg_ref, u_ref, o_ref):
        s = seg_ref[...]
        perm = (lax.broadcasted_iota(jnp.int32, (c, c), 0)
                == u_ref[...]).astype(jnp.float32)
        gathered_t = lax.dot_general(perm, s, (((0,), (1,)), ((), ())),
                                     preferred_element_type=jnp.float32)
        total_t = lax.dot_general(jnp.ones((1, c), jnp.float32), s,
                                  (((1,), (1,)), ((), ())),
                                  preferred_element_type=jnp.float32)
        o_ref[...] = jnp.log(gathered_t) - jnp.log(total_t)

    out_t = pl.pallas_call(
        body,
        grid=(b // bm,),
        in_specs=[
            pl.BlockSpec((bm, c), lambda i: (i, 0)),
            pl.BlockSpec((1, c), lambda i: (0, 0)),
        ],
        out_specs=pl.BlockSpec((c, bm), lambda i: (0, i)),
        out_shape=jax.ShapeDtypeStruct((c, b), jnp.float32),
    )(seg, u2)
    return jnp.transpose(out_t)


def kernel(similarities, d_train1):
    u = _unique_labels_sc(d_train1)
    seg = _fused_tc(similarities, d_train1)
    return _permute_log_tc(seg, u)

# --- scband reference (transcript-rebuilt; emitter-appended) ---
"""Pipeline reference for scband-attentional-classify-43353399886116 (READ-ONLY COPY).

The authoritative reference and input builder live on the scoring server;
editing this copy changes nothing except your own understanding.
"""

import jax, jax.numpy as jnp
import numpy as np


def setup_inputs(seed: int = 0) -> dict:
    key = jax.random.key(seed)
    k1, k2 = jax.random.split(key)
    similarities = jax.random.normal(k1, (4096, 2048), dtype=jnp.float32)
    d_train1 = jax.random.randint(k2, (2048,), 0, 64, dtype=jnp.int32)
    return {"similarities": similarities, "d_train1": d_train1}


def reference(similarities, d_train1):
    # softmax over support dimension
    similarities_softmax = jax.nn.softmax(similarities, axis=1)
    # unique labels (executed eagerly, like torch .unique())
    unique_labels = jnp.unique(d_train1, size=64, fill_value=0)
    # segment-reduce: for each unique label, sum softmax mass over matching support items
    # vectorized as a masked matmul: onehot[c, l] = (d_train1[l] == unique_labels[c])
    onehot = (d_train1[None, :] == unique_labels[:, None]).astype(similarities_softmax.dtype)  # [C, L]
    class_sums = similarities_softmax @ onehot.T  # [B, C]
    preds = jnp.log(class_sums)
    return preds

if __name__ == "__main__":
    import jax
    _d = setup_inputs()
    print(jax.jit(kernel)(*tuple(_d.values())))

</pallas_src>

<mosaic_0001>
#map = affine_map<(d0, d1) -> (0)>
module attributes {stable_mosaic.version = 14 : i64} {
  func.func @uniq_kernel(%arg0: i32, %arg1: i32, %arg2: memref<2048xi32, #tpu.memory_space<hbm>>, %arg3: memref<64xi32, #tpu.memory_space<hbm>>, %arg4: memref<2048xi32, #tpu.memory_space<vmem>>, %arg5: memref<64xi32, #tpu.memory_space<vmem>>, %arg6: memref<64xi32, #tpu.memory_space<vmem>>) attributes {dimension_semantics = [#tpu.dimension_semantics<core_parallel>, #tpu.dimension_semantics<subcore_parallel>], iteration_bounds = array<i64: 1, 16>, scalar_prefetch = 0 : i64, scratch_operands = 3 : i64, tpu.core_type = #tpu.core_type<sc_vector_subcore>, window_params = [{transform_indices = #map}, {transform_indices = #map}]} {
    %eq3A = arith.constant 0 : i32
    %eq3A_0 = arith.cmpi eq, %arg0, %eq3A : i32
    %eq3A_1 = arith.constant 0 : i32
    %eq3A_2 = arith.cmpi eq, %arg1, %eq3A_1 : i32
    %and3A = arith.andi %eq3A_0, %eq3A_2 : i1
    %convert_element_type3A = arith.extui %and3A : i1 to i32
    %cond3A = arith.constant 0 : i32
    %cond3A_3 = arith.cmpi ne, %convert_element_type3A, %cond3A : i32
    scf.if %cond3A_3 {
      "tpu.region"() ({
        %run_scoped3A = tpu.sem_alloc : memref<!tpu.dma_semaphore, #tpu.memory_space<semaphore_mem>>
        tpu.enqueue_dma source(%arg2 : memref<2048xi32, #tpu.memory_space<hbm>>) target(%arg4 : memref<2048xi32, #tpu.memory_space<vmem>>) target_semaphore(%run_scoped3A : memref<!tpu.dma_semaphore, #tpu.memory_space<semaphore_mem>>)
        tpu.wait_dma2 semaphore(%run_scoped3A : memref<!tpu.dma_semaphore, #tpu.memory_space<semaphore_mem>>) src(%arg2 : memref<2048xi32, #tpu.memory_space<hbm>>) dst(%arg4 : memref<2048xi32, #tpu.memory_space<vmem>>)
        tpu.yield
      }) : () -> ()
      %broadcast_in_dim3A = arith.constant 0 : i32
      %broadcast_in_dim3A_4 = vector.broadcast %broadcast_in_dim3A : i32 to vector<16xi32>
      %broadcast_in_dim3A_5 = arith.constant 1 : i32
      %broadcast_in_dim3A_6 = vector.broadcast %broadcast_in_dim3A_5 : i32 to vector<16xi32>
      %swap3A = arith.constant 0 : index
      %swap3A_7 = tpu.vector_load %arg5[%swap3A] {strides = array<i32>} : memref<64xi32, #tpu.memory_space<vmem>>, vector<16xi32>,
      tpu.vector_store %arg5[%swap3A], %broadcast_in_dim3A_4 {strides = array<i32>} : memref<64xi32, #tpu.memory_space<vmem>>, vector<16xi32>,
      %swap3A_8 = arith.constant 0 : index
      %swap3A_9 = tpu.vector_load %arg6[%swap3A_8] {strides = array<i32>} : memref<64xi32, #tpu.memory_space<vmem>>, vector<16xi32>,
      tpu.vector_store %arg6[%swap3A_8], %broadcast_in_dim3A_4 {strides = array<i32>} : memref<64xi32, #tpu.memory_space<vmem>>, vector<16xi32>,
      %swap3A_10 = arith.constant 16 : index
      %swap3A_11 = tpu.vector_load %arg5[%swap3A_10] {strides = array<i32>} : memref<64xi32, #tpu.memory_space<vmem>>, vector<16xi32>,
      tpu.vector_store %arg5[%swap3A_10], %broadcast_in_dim3A_4 {strides = array<i32>} : memref<64xi32, #tpu.memory_space<vmem>>, vector<16xi32>,
      %swap3A_12 = arith.constant 16 : index
      %swap3A_13 = tpu.vector_load %arg6[%swap3A_12] {strides = array<i32>} : memref<64xi32, #tpu.memory_space<vmem>>, vector<16xi32>,
      tpu.vector_store %arg6[%swap3A_12], %broadcast_in_dim3A_4 {strides = array<i32>} : memref<64xi32, #tpu.memory_space<vmem>>, vector<16xi32>,
      %swap3A_14 = arith.constant 32 : index
      %swap3A_15 = tpu.vector_load %arg5[%swap3A_14] {strides = array<i32>} : memref<64xi32, #tpu.memory_space<vmem>>, vector<16xi32>,
      tpu.vector_store %arg5[%swap3A_14], %broadcast_in_dim3A_4 {strides = array<i32>} : memref<64xi32, #tpu.memory_space<vmem>>, vector<16xi32>,
      %swap3A_16 = arith.constant 32 : index
      %swap3A_17 = tpu.vector_load %arg6[%swap3A_16] {strides = array<i32>} : memref<64xi32, #tpu.memory_space<vmem>>, vector<16xi32>,
      tpu.vector_store %arg6[%swap3A_16], %broadcast_in_dim3A_4 {strides = array<i32>} : memref<64xi32, #tpu.memory_space<vmem>>, vector<16xi32>,
      %swap3A_18 = arith.constant 48 : index
      %swap3A_19 = tpu.vector_load %arg5[%swap3A_18] {strides = array<i32>} : memref<64xi32, #tpu.memory_space<vmem>>, vector<16xi32>,
      tpu.vector_store %arg5[%swap3A_18], %broadcast_in_dim3A_4 {strides = array<i32>} : memref<64xi32, #tpu.memory_space<vmem>>, vector<16xi32>,
      %swap3A_20 = arith.constant 48 : index
      %swap3A_21 = tpu.vector_load %arg6[%swap3A_20] {strides = array<i32>} : memref<64xi32, #tpu.memory_space<vmem>>, vector<16xi32>,
      tpu.vector_store %arg6[%swap3A_20], %broadcast_in_dim3A_4 {strides = array<i32>} : memref<64xi32, #tpu.memory_space<vmem>>, vector<16xi32>,
      %scan3A = arith.constant 0 : i32
      %scan3A_22 = arith.constant 0 : i32
      %scan3A_23 = arith.constant 128 : i32
      %scan3A_24 = arith.addi %scan3A_22, %scan3A_23 : i32
      %scan3A_25 = arith.constant 1 : i32
      scf.for %scan3A_110 = %scan3A_22 to %scan3A_24 step %scan3A_25  : i32 {
        %mul3A = arith.constant 16 : i32
        %mul3A_111 = arith.muli %scan3A_110, %mul3A : i32
        %get3A_112 = arith.index_cast %mul3A_111 : i32 to index
        %get3A_113 = tpu.vector_load %arg4[%get3A_112] {strides = array<i32>} : memref<2048xi32, #tpu.memory_space<vmem>>, vector<16xi32>,
        tpu.vector_store_idx %arg5[%get3A_113], %broadcast_in_dim3A_6 : memref<64xi32, #tpu.memory_space<vmem>>[vector<16xi32>], vector<16xi32>,
      }
      %scan3A_26 = arith.constant 128 : i32
      %get3A = arith.constant 0 : index
      %get3A_27 = tpu.vector_load %arg5[%get3A] {strides = array<i32>} : memref<64xi32, #tpu.memory_space<vmem>>, vector<16xi32>,
      %broadcast_in_dim3A_28 = arith.constant true
      %broadcast_in_dim3A_29 = vector.broadcast %broadcast_in_dim3A_28 : i1 to vector<16xi1>
      %masked_cumsum3A = tpu.scan <sum>, %get3A_27 masked %broadcast_in_dim3A_29 : vector<16xi32>, vector<16xi1> -> vector<16xi32>
      %sub3A = arith.constant 1 : i32
      %sub3A_30 = vector.broadcast %sub3A : i32 to vector<16xi32>
      %sub3A_31 = arith.subi %masked_cumsum3A, %sub3A_30 : vector<16xi32>
      %add3A = arith.constant 0 : i32
      %add3A_32 = vector.broadcast %add3A : i32 to vector<16xi32>
      %add3A_33 = arith.addi %sub3A_31, %add3A_32 : vector<16xi32>
      %iota3A = tpu.iota {dimensions = array<i32: 0>} : vector<16xi32>
      %add3A_34 = arith.constant 0 : i32
      %add3A_35 = vector.broadcast %add3A_34 : i32 to vector<16xi32>
      %add3A_36 = arith.addi %iota3A, %add3A_35 : vector<16xi32>
      %gt3A = arith.constant 0 : i32
      %gt3A_37 = vector.broadcast %gt3A : i32 to vector<16xi32>
      %gt3A_38 = arith.cmpi sgt, %get3A_27, %gt3A_37 : vector<16xi32>
      tpu.vector_store_idx %arg6[%add3A_33], %add3A_36 masked %gt3A_38 : memref<64xi32, #tpu.memory_space<vmem>>[vector<16xi32>], vector<16xi32>, vector<16xi1>
      %reduce_sum3A = arith.constant true
      %reduce_sum3A_39 = vector.broadcast %reduce_sum3A : i1 to vector<16xi1>
      %reduce_sum3A_40 = tpu.scan <sum>, %get3A_27 masked %reduce_sum3A_39 : vector<16xi32>, vector<16xi1> -> vector<16xi32>
      %reduce_sum3A_41 = vector.extract %reduce_sum3A_40[15] : i32 from vector<16xi32>
      %add3A_42 = arith.constant 0 : i32
      %add3A_43 = arith.addi %add3A_42, %reduce_sum3A_41 : i32
      %get3A_44 = arith.constant 16 : index
      %get3A_45 = tpu.vector_load %arg5[%get3A_44] {strides = array<i32>} : memref<64xi32, #tpu.memory_space<vmem>>, vector<16xi32>,
      %broadcast_in_dim3A_46 = arith.constant true
      %broadcast_in_dim3A_47 = vector.broadcast %broadcast_in_dim3A_46 : i1 to vector<16xi1>
      %masked_cumsum3A_48 = tpu.scan <sum>, %get3A_45 masked %broadcast_in_dim3A_47 : vector<16xi32>, vector<16xi1> -> vector<16xi32>
      %sub3A_49 = arith.constant 1 : i32
      %sub3A_50 = vector.broadcast %sub3A_49 : i32 to vector<16xi32>
      %sub3A_51 = arith.subi %masked_cumsum3A_48, %sub3A_50 : vector<16xi32>
      %add3A_52 = vector.broadcast %add3A_43 : i32 to vector<16xi32>
      %add3A_53 = arith.addi %sub3A_51, %add3A_52 : vector<16xi32>
      %iota3A_54 = tpu.iota {dimensions = array<i32: 0>} : vector<16xi32>
      %add3A_55 = arith.constant 16 : i32
      %add3A_56 = vector.broadcast %add3A_55 : i32 to vector<16xi32>
      %add3A_57 = arith.addi %iota3A_54, %add3A_56 : vector<16xi32>
      %gt3A_58 = arith.constant 0 : i32
      %gt3A_59 = vector.broadcast %gt3A_58 : i32 to vector<16xi32>
      %gt3A_60 = arith.cmpi sgt, %get3A_45, %gt3A_59 : vector<16xi32>
      tpu.vector_store_idx %arg6[%add3A_53], %add3A_57 masked %gt3A_60 : memref<64xi32, #tpu.memory_space<vmem>>[vector<16xi32>], vector<16xi32>, vector<16xi1>
      %reduce_sum3A_61 = arith.constant true
      %reduce_sum3A_62 = vector.broadcast %reduce_sum3A_61 : i1 to vector<16xi1>
      %reduce_sum3A_63 = tpu.scan <sum>, %get3A_45 masked %reduce_sum3A_62 : vector<16xi32>, vector<16xi1> -> vector<16xi32>
      %reduce_sum3A_64 = vector.extract %reduce_sum3A_63[15] : i32 from vector<16xi32>
      %add3A_65 = arith.addi %add3A_43, %reduce_sum3A_64 : i32
      %get3A_66 = arith.constant 32 : index
      %get3A_67 = tpu.vector_load %arg5[%get3A_66] {strides = array<i32>} : memref<64xi32, #tpu.memory_space<vmem>>, vector<16xi32>,
      %broadcast_in_dim3A_68 = arith.constant true
      %broadcast_in_dim3A_69 = vector.broadcast %broadcast_in_dim3A_68 : i1 to vector<16xi1>
      %masked_cumsum3A_70 = tpu.scan <sum>, %get3A_67 masked %broadcast_in_dim3A_69 : vector<16xi32>, vector<16xi1> -> vector<16xi32>
      %sub3A_71 = arith.constant 1 : i32
      %sub3A_72 = vector.broadcast %sub3A_71 : i32 to vector<16xi32>
      %sub3A_73 = arith.subi %masked_cumsum3A_70, %sub3A_72 : vector<16xi32>
      %add3A_74 = vector.broadcast %add3A_65 : i32 to vector<16xi32>
      %add3A_75 = arith.addi %sub3A_73, %add3A_74 : vector<16xi32>
      %iota3A_76 = tpu.iota {dimensions = array<i32: 0>} : vector<16xi32>
      %add3A_77 = arith.constant 32 : i32
      %add3A_78 = vector.broadcast %add3A_77 : i32 to vector<16xi32>
      %add3A_79 = arith.addi %iota3A_76, %add3A_78 : vector<16xi32>
      %gt3A_80 = arith.constant 0 : i32
      %gt3A_81 = vector.broadcast %gt3A_80 : i32 to vector<16xi32>
      %gt3A_82 = arith.cmpi sgt, %get3A_67, %gt3A_81 : vector<16xi32>
      tpu.vector_store_idx %arg6[%add3A_75], %add3A_79 masked %gt3A_82 : memref<64xi32, #tpu.memory_space<vmem>>[vector<16xi32>], vector<16xi32>, vector<16xi1>
      %reduce_sum3A_83 = arith.constant true
      %reduce_sum3A_84 = vector.broadcast %reduce_sum3A_83 : i1 to vector<16xi1>
      %reduce_sum3A_85 = tpu.scan <sum>, %get3A_67 masked %reduce_sum3A_84 : vector<16xi32>, vector<16xi1> -> vector<16xi32>
      %reduce_sum3A_86 = vector.extract %reduce_sum3A_85[15] : i32 from vector<16xi32>
      %add3A_87 = arith.addi %add3A_65, %reduce_sum3A_86 : i32
      %get3A_88 = arith.constant 48 : index
      %get3A_89 = tpu.vector_load %arg5[%get3A_88] {strides = array<i32>} : memref<64xi32, #tpu.memory_space<vmem>>, vector<16xi32>,
      %broadcast_in_dim3A_90 = arith.constant true
      %broadcast_in_dim3A_91 = vector.broadcast %broadcast_in_dim3A_90 : i1 to vector<16xi1>
      %masked_cumsum3A_92 = tpu.scan <sum>, %get3A_89 masked %broadcast_in_dim3A_91 : vector<16xi32>, vector<16xi1> -> vector<16xi32>
      %sub3A_93 = arith.constant 1 : i32
      %sub3A_94 = vector.broadcast %sub3A_93 : i32 to vector<16xi32>
      %sub3A_95 = arith.subi %masked_cumsum3A_92, %sub3A_94 : vector<16xi32>
      %add3A_96 = vector.broadcast %add3A_87 : i32 to vector<16xi32>
      %add3A_97 = arith.addi %sub3A_95, %add3A_96 : vector<16xi32>
      %iota3A_98 = tpu.iota {dimensions = array<i32: 0>} : vector<16xi32>
      %add3A_99 = arith.constant 48 : i32
      %add3A_100 = vector.broadcast %add3A_99 : i32 to vector<16xi32>
      %add3A_101 = arith.addi %iota3A_98, %add3A_100 : vector<16xi32>
      %gt3A_102 = arith.constant 0 : i32
      %gt3A_103 = vector.broadcast %gt3A_102 : i32 to vector<16xi32>
      %gt3A_104 = arith.cmpi sgt, %get3A_89, %gt3A_103 : vector<16xi32>
      tpu.vector_store_idx %arg6[%add3A_97], %add3A_101 masked %gt3A_104 : memref<64xi32, #tpu.memory_space<vmem>>[vector<16xi32>], vector<16xi32>, vector<16xi1>
      %reduce_sum3A_105 = arith.constant true
      %reduce_sum3A_106 = vector.broadcast %reduce_sum3A_105 : i1 to vector<16xi1>
      %reduce_sum3A_107 = tpu.scan <sum>, %get3A_89 masked %reduce_sum3A_106 : vector<16xi32>, vector<16xi1> -> vector<16xi32>
      %reduce_sum3A_108 = vector.extract %reduce_sum3A_107[15] : i32 from vector<16xi32>
      %add3A_109 = arith.addi %add3A_87, %reduce_sum3A_108 : i32
      "tpu.region"() ({
        %run_scoped3A = tpu.sem_alloc : memref<!tpu.dma_semaphore, #tpu.memory_space<semaphore_mem>>
        tpu.enqueue_dma source(%arg6 : memref<64xi32, #tpu.memory_space<vmem>>) target(%arg3 : memref<64xi32, #tpu.memory_space<hbm>>) target_semaphore(%run_scoped3A : memref<!tpu.dma_semaphore, #tpu.memory_space<semaphore_mem>>)
        tpu.wait_dma2 semaphore(%run_scoped3A : memref<!tpu.dma_semaphore, #tpu.memory_space<semaphore_mem>>) src(%arg6 : memref<64xi32, #tpu.memory_space<vmem>>) dst(%arg3 : memref<64xi32, #tpu.memory_space<hbm>>)
        tpu.yield
      }) : () -> ()
    } else {
    }
    return
  }
}

module attributes {stable_mosaic.version = 14 : i64} {
  func.func @body(%arg0: i32, %arg1: memref<1024x2048xf32, #tpu.memory_space<vmem>>, %arg2: memref<1x2048xi32, #tpu.memory_space<vmem>>, %arg3: memref<1024x64xf32, #tpu.memory_space<vmem>>) attributes {dimension_semantics = [#tpu.dimension_semantics<arbitrary>], iteration_bounds = array<i64: 4>, scalar_prefetch = 0 : i64, scratch_operands = 0 : i64, tpu.core_type = #tpu.core_type<tc>, window_params = [{transform_indices = @transform_0, window_bounds = array<i64: 1024, 2048>}, {pipeline_mode = #tpu.pipeline_mode<synchronous>, transform_indices = @transform_1, window_bounds = array<i64: 1, 2048>}, {transform_indices = @transform_2, window_bounds = array<i64: 1024, 64>}]} {
    %get3A = arith.constant 0 : index
    %get3A_0 = arith.constant 0 : index
    %get3A_1 = vector.load %arg1[%get3A, %get3A_0] : memref<1024x2048xf32, #tpu.memory_space<vmem>>, vector<1024x2048xf32>
    %exp3A = math.exp %get3A_1 : vector<1024x2048xf32>
    %iota3A = tpu.iota {dimensions = array<i32: 0>} : vector<64x2048xi32>
    %get3A_2 = arith.constant 0 : index
    %get3A_3 = arith.constant 0 : index
    %get3A_4 = vector.load %arg2[%get3A_2, %get3A_3] : memref<1x2048xi32, #tpu.memory_space<vmem>>, vector<1x2048xi32>
    %eq3A = vector.broadcast %get3A_4 : vector<1x2048xi32> to vector<64x2048xi32>
    %eq3A_5 = arith.cmpi eq, %iota3A, %eq3A : vector<64x2048xi32>
    %convert_element_type3A = arith.extui %eq3A_5 : vector<64x2048xi1> to vector<64x2048xi32>
    %convert_element_type3A_6 = arith.sitofp %convert_element_type3A : vector<64x2048xi32> to vector<64x2048xf32>
    %dot_general3A = arith.constant dense<0.000000e+00> : vector<1024x64xf32>
    %dot_general3A_7 = tpu.matmul %exp3A, %convert_element_type3A_6, %dot_general3A {dimension_numbers = #tpu.dot_dimension_numbers<[1], [1], [0], [0], [0, 0, 1, 0], [], []>, transpose_lhs_hint = false} : vector<1024x2048xf32>, vector<64x2048xf32>, vector<1024x64xf32> -> vector<1024x64xf32>
    %swap3A = arith.constant 0 : index
    %swap3A_8 = arith.constant 0 : index
    %swap3A_9 = vector.load %arg3[%swap3A, %swap3A_8] : memref<1024x64xf32, #tpu.memory_space<vmem>>, vector<1024x64xf32>
    tpu.vector_store %arg3[%swap3A, %swap3A_8], %dot_general3A_7 {strides = array<i32>} : memref<1024x64xf32, #tpu.memory_space<vmem>>, vector<1024x64xf32>,
    return
  }
  func.func @transform_0(%arg0: i32) -> (i32, i32) {
    %c0_i32 = arith.constant 0 : i32
    %c0_i32_0 = arith.constant 0 : i32
    return %arg0, %c0_i32 : i32, i32
  }
  func.func @transform_1(%arg0: i32) -> (i32, i32) {
    %c0_i32 = arith.constant 0 : i32
    %c0_i32_0 = arith.constant 0 : i32
    %c0_i32_1 = arith.constant 0 : i32
    return %c0_i32, %c0_i32_0 : i32, i32
  }
  func.func @transform_2(%arg0: i32) -> (i32, i32) {
    %c0_i32 = arith.constant 0 : i32
    %c0_i32_0 = arith.constant 0 : i32
    return %arg0, %c0_i32 : i32, i32
  }
}

module attributes {stable_mosaic.version = 14 : i64} {
  func.func @body(%arg0: i32, %arg1: memref<2048x64xf32, #tpu.memory_space<vmem>>, %arg2: memref<1x64xi32, #tpu.memory_space<vmem>>, %arg3: memref<64x2048xf32, #tpu.memory_space<vmem>>) attributes {dimension_semantics = [#tpu.dimension_semantics<arbitrary>], iteration_bounds = array<i64: 2>, scalar_prefetch = 0 : i64, scratch_operands = 0 : i64, tpu.core_type = #tpu.core_type<tc>, window_params = [{transform_indices = @transform_0, window_bounds = array<i64: 2048, 64>}, {pipeline_mode = #tpu.pipeline_mode<synchronous>, transform_indices = @transform_1, window_bounds = array<i64: 1, 64>}, {transform_indices = @transform_2, window_bounds = array<i64: 64, 2048>}]} {
    %get3A = arith.constant 0 : index
    %get3A_0 = arith.constant 0 : index
    %get3A_1 = vector.load %arg1[%get3A, %get3A_0] : memref<2048x64xf32, #tpu.memory_space<vmem>>, vector<2048x64xf32>
    %iota3A = tpu.iota {dimensions = array<i32: 0>} : vector<64x64xi32>
    %get3A_2 = arith.constant 0 : index
    %get3A_3 = arith.constant 0 : index
    %get3A_4 = vector.load %arg2[%get3A_2, %get3A_3] : memref<1x64xi32, #tpu.memory_space<vmem>>, vector<1x64xi32>
    %eq3A = vector.broadcast %get3A_4 : vector<1x64xi32> to vector<64x64xi32>
    %eq3A_5 = arith.cmpi eq, %iota3A, %eq3A : vector<64x64xi32>
    %convert_element_type3A = arith.extui %eq3A_5 : vector<64x64xi1> to vector<64x64xi32>
    %convert_element_type3A_6 = arith.sitofp %convert_element_type3A : vector<64x64xi32> to vector<64x64xf32>
    %dot_general3A = arith.constant dense<0.000000e+00> : vector<64x2048xf32>
    %dot_general3A_7 = tpu.matmul %convert_element_type3A_6, %get3A_1, %dot_general3A {dimension_numbers = #tpu.dot_dimension_numbers<[0], [1], [1], [0], [0, 1, 1, 0], [], []>, transpose_lhs_hint = false} : vector<64x64xf32>, vector<2048x64xf32>, vector<64x2048xf32> -> vector<64x2048xf32>
    %broadcast_in_dim3A = arith.constant 1.000000e+00 : f32
    %broadcast_in_dim3A_8 = vector.broadcast %broadcast_in_dim3A : f32 to vector<1x64xf32>
    %dot_general3A_9 = arith.constant dense<0.000000e+00> : vector<1x2048xf32>
    %dot_general3A_10 = tpu.matmul %broadcast_in_dim3A_8, %get3A_1, %dot_general3A_9 {dimension_numbers = #tpu.dot_dimension_numbers<[1], [1], [0], [0], [0, 0, 1, 0], [], []>, transpose_lhs_hint = false} : vector<1x64xf32>, vector<2048x64xf32>, vector<1x2048xf32> -> vector<1x2048xf32>
    %log3A = math.log %dot_general3A_7 : vector<64x2048xf32>
    %log3A_11 = math.log %dot_general3A_10 : vector<1x2048xf32>
    %sub3A = vector.broadcast %log3A_11 : vector<1x2048xf32> to vector<64x2048xf32>
    %sub3A_12 = arith.subf %log3A, %sub3A : vector<64x2048xf32>
    %swap3A = arith.constant 0 : index
    %swap3A_13 = arith.constant 0 : index
    %swap3A_14 = vector.load %arg3[%swap3A, %swap3A_13] : memref<64x2048xf32, #tpu.memory_space<vmem>>, vector<64x2048xf32>
    tpu.vector_store %arg3[%swap3A, %swap3A_13], %sub3A_12 {strides = array<i32>} : memref<64x2048xf32, #tpu.memory_space<vmem>>, vector<64x2048xf32>,
    return
  }
  func.func @transform_0(%arg0: i32) -> (i32, i32) {
    %c0_i32 = arith.constant 0 : i32
    %c0_i32_0 = arith.constant 0 : i32
    return %arg0, %c0_i32 : i32, i32
  }
  func.func @transform_1(%arg0: i32) -> (i32, i32) {
    %c0_i32 = arith.constant 0 : i32
    %c0_i32_0 = arith.constant 0 : i32
    %c0_i32_1 = arith.constant 0 : i32
    return %c0_i32, %c0_i32_0 : i32, i32
  }
  func.func @transform_2(%arg0: i32) -> (i32, i32) {
    %c0_i32 = arith.constant 0 : i32
    %c0_i32_0 = arith.constant 0 : i32
    return %c0_i32, %arg0 : i32, i32
  }
}

</mosaic_0001>

<sc_bundles>
// kernel: kernel.5.cloned.1.call-start
scs
__scs_entry_jumppad:
0x0: {  	(pc) =	sbr.rel $0x88, $3  }
0x1: {  	(tag) =	ssettag $0x0;
	lr =	simm.s32 $0x1  }
0x2: {  	[smem:$0x3F9F] =	sst lr;
	_ =	strace $0xD0000000  }
0x3: {  	_ = 	snop  }
0x4: {  	_ = 	snop  }
0x5: {  	_ = 	snop  }
0x6: {  	_ = 	snop  }
0x7: {  	_ = 	snop  }
__scs_overlays_trampoline_lowered:
0x8: {  	[smem:$0x3FAE] =	sst s0  }
0x9: {  	[smem:$0x3FAF] =	sst s1  }
0xa: {  	[smem:$0x3FB0] =	sst s2  }
0xb: {  	[smem:$0x3FB1] =	sst s3  }
0xc: {  	[smem:$0x3FB2] =	sst s4  }
0xd: {  	[smem:$0x3FB3] =	sst s5  }
0xe: {  	[smem:$0x3FB4] =	sst s6  }
0xf: {  	[smem:$0x3FB5] =	sst s7  }
0x10: {  	[smem:$0x3FB6] =	sst s8  }
0x11: {  	[smem:$0x3FB7] =	sst s9;
	s0 =	simm.s32 @!p0 $0x0  }
0x12: {  	s1 =	sld [smem:$0x3F9D];
	s0 =	simm.s32 @p0 $0x1  }
0x13: {  	[smem:$0x3FB8] =	sst s0;
	s0 =	simm.s32 @!p1 $0x0  }
0x14: {  	s2 =	sld [smem:$0x3F9C];
	s0 =	simm.s32 @p1 $0x1  }
0x15: {  	[smem:$0x3FB9] =	sst s0;
	s0 =	simm.s32 @!p2 $0x0  }
0x16: {  	s3 =	sld [smem:$0x3FDB];
	s0 =	simm.s32 @p2 $0x1  }
0x17: {  	s4 =	simm.s32 $0x1BF5;
	[smem:$0x3FBB] =	sst s0  }
0x18: {  	s0 =	sld [smem:$0x3F9E];
	_ =	swait.ge [sflag:s4], $0x0  }
0x19: {  	s7 =	sld [smem:$0x3F9F]  }
0x1a: {  	s8 =	sadd.s32 $0xFFFFE003, lr  }
0x1b: {  	s9 =	sadd.s32 $0xFFFFFEF7, lr;
	s5 =	simm.s32 $0xFFFFFFFF;
	p2 =	slt.u32 s8, $0xFFFFF086  }
0x1c: {  	p1 =	slt.u32 s9, $0xF7A;
	s5 =	simm.s32 @!p2 $0x0  }
0x1d: {  	s5 =	simm.s32 @p1 $0x1;
	p0 =	seq.s32 s7, s2  }
0x1e: {  	s7 =	smul.u32 @!p0 $0xF7A, s2;
	p2 =	seq.s32 @!p0 s5, $0x0  }
0x1f: {  	s9 =	smul.u32 $0xF7A, s1;
	s8 =	simm.s32 @!p0 $0x1BF5;
	p2 =	por !p2, p0  }
0x20: {  	[sflag:s8] =	ssyncset.s32 @!p0 $0xFFFFF086;
	s6 =	sadd.s32 @!p0 s3, s7;
	s7 =	simm.s32 @!p0 $0x108  }
0x21: {  	s3 =	sadd.s32 s3, s9;
	s6 =	sadd.s32 @!p0 $0x88, s6;
	s7 =	simm.s32 @p2 $0x1082  }
0x22: {  	[simem:s7], [sflag:s8] =	dma.local @!p0 [hbm:s6], $0xF7A  }
0x23: {  	s9 =	sor.u32 $0xD0000000, s2;
	s6 =	simm.s32 $0x108;
	_ =	swait.ge @!p0 [sflag:s8], $0x0  }
0x24: {  	s3 =	sadd.s32 $0x88, s3;
	s6 =	simm.s32 @!p1 $0x1082;
	[sflag:s4] =	ssyncset.s32 $0xFFFFF086  }
0x25: {  	[simem:s6], [sflag:s4] =	dma.local [hbm:s3], $0xF7A  }
0x26: {  	[smem:$0x3F9F] =	sst s1;
	(tag) =	ssettag s2;
	_ =	strace s9  }
0x27: {  	s1 =	sld [smem:$0x3FAF]  }
0x28: {  	s2 =	sld [smem:$0x3FB0]  }
0x29: {  	s4 =	sld [smem:$0x3FB2]  }
0x2a: {  	p0 =	seq.s32 s5, $0x0;
	s5 =	sld [smem:$0x3FB3]  }
0x2b: {  	s6 =	sld [smem:$0x3FB4]  }
0x2c: {  	s7 =	sld [smem:$0x3FB5]  }
0x2d: {  	s3 =	simm.s32 $0x108;
	s8 =	sld [smem:$0x3FB6]  }
0x2e: {  	s3 =	simm.s32 @!p0 $0x1082;
	s9 =	sld [smem:$0x3FB7]  }
0x2f: {  	lr =	sadd.s32 s0, s3;
	s0 =	sld [smem:$0x3FAE]  }
0x30: {  	s3 =	sld [smem:$0x3FB1]  }
0x31: {  	[smem:$0x3FBA] =	sst s10  }
0x32: {  	s10 =	sld [smem:$0x3FB8];
	_ =	sdelay $0x3  }
0x33: {  	p0 =	seq.s32 s10, $0x1;
	s10 =	sld [smem:$0x3FBA];
	_ =	sdelay $0x3  }
0x34: {  	[smem:$0x3FBA] =	sst s10  }
0x35: {  	s10 =	sld [smem:$0x3FB9];
	_ =	sdelay $0x3  }
0x36: {  	p1 =	seq.s32 s10, $0x1;
	s10 =	sld [smem:$0x3FBA];
	_ =	sdelay $0x3  }
0x37: {  	[smem:$0x3FBA] =	sst s10  }
0x38: {  	s10 =	sld [smem:$0x3FBB]  }
0x39: {  	_ = 	snop;
	(pc) =	sbr.ind lr, $3  }
0x3a: {  	_ = 	snop  }
0x3b: {  	_ = 	snop  }
0x3c: {  	p2 =	seq.s32 s10, $0x1;
	s10 =	sld [smem:$0x3FBA]  }
0x3d: {  	_ =	shalt  }
0x3e: {  	_ =	shalt  }
0x3f: {  	_ =	shalt  }
0x40: {  	_ =	shalt  }
0x41: {  	_ =	shalt  }
0x42: {  	_ =	shalt  }
0x43: {  	_ =	shalt  }
0x44: {  	_ =	shalt  }
0x45: {  	_ =	shalt  }
0x46: {  	_ =	shalt  }
0x47: {  	_ =	shalt  }
0x48: {  	_ =	shalt  }
0x49: {  	_ =	shalt  }
0x4a: {  	_ =	shalt  }
0x4b: {  	_ =	shalt  }
0x4c: {  	_ =	shalt  }
0x4d: {  	_ =	shalt  }
0x4e: {  	_ =	shalt  }
0x4f: {  	_ =	shalt  }
0x50: {  	_ =	shalt  }
0x51: {  	_ =	shalt  }
0x52: {  	_ =	shalt  }
0x53: {  	_ =	shalt  }
0x54: {  	_ =	shalt  }
0x55: {  	_ =	shalt  }
0x56: {  	_ =	shalt  }
0x57: {  	_ =	shalt  }
0x58: {  	_ =	shalt  }
0x59: {  	_ =	shalt  }
0x5a: {  	_ =	shalt  }
0x5b: {  	_ =	shalt  }
0x5c: {  	_ =	shalt  }
0x5d: {  	_ =	shalt  }
0x5e: {  	_ =	shalt  }
0x5f: {  	_ =	shalt  }
0x60: {  	_ =	shalt  }
0x61: {  	_ =	shalt  }
0x62: {  	_ =	shalt  }
0x63: {  	_ =	shalt  }
0x64: {  	_ =	shalt  }
0x65: {  	_ =	shalt  }
0x66: {  	_ =	shalt  }
0x67: {  	_ =	shalt  }
0x68: {  	_ =	shalt  }
0x69: {  	_ =	shalt  }
0x6a: {  	_ =	shalt  }
0x6b: {  	_ =	shalt  }
0x6c: {  	_ =	shalt  }
0x6d: {  	_ =	shalt  }
0x6e: {  	_ =	shalt  }
0x6f: {  	_ =	shalt  }
0x70: {  	_ =	shalt  }
0x71: {  	_ =	shalt  }
0x72: {  	_ =	shalt  }
0x73: {  	_ =	shalt  }
0x74: {  	_ =	shalt  }
0x75: {  	_ =	shalt  }
0x76: {  	_ =	shalt  }
0x77: {  	_ =	shalt  }
0x78: {  	_ =	shalt  }
0x79: {  	_ =	shalt  }
0x7a: {  	_ =	shalt  }
0x7b: {  	_ =	shalt  }
0x7c: {  	_ =	shalt  }
0x7d: {  	_ =	shalt  }
0x7e: {  	_ =	shalt  }
0x7f: {  	_ =	shalt  }
0x80: {  	_ =	shalt  }
0x81: {  	_ =	shalt  }
0x82: {  	_ =	shalt  }
0x83: {  	_ =	shalt  }
0x84: {  	_ =	shalt  }
0x85: {  	_ =	shalt  }
0x86: {  	_ =	shalt  }
0x87: {  	_ =	shalt  }
.Lfunc_end0:
.L_simem_size_0:
called_computation_lowered:
.L_overlay_start_0:
0x88: {  	s0 =	sld [smem:$0x3FD9]  }
0x89: {  	s1 =	sld [smem:$0x3FFE];
	_ =	sdelay $0x3  }
0x8a: {  	s0 =	sadd.s32 s1, s0  }
0x8b: {  	[smem:$0x3FC6] =	sst s0  }
0x8c: {  	_ = 	snop  }
0x8d: {  	s0 =	sld [smem:$0x3FC8]  }
0x8e: {  	s17 =	sld [smem:$0x3FD0];
	(tm) =	ssettm $0x1  }
0x8f: {  	s2 =	sld [smem:$0x3FFB];
	_ =	sdelay $0x3  }
0x90: {  	_ =	strace s2  }
0x91: {  	s2 =	sld [smem:$0x3FFC];
	_ =	sdelay $0x3  }
0x92: {  	_ =	strace s2  }
0x93: {  	s2 =	sld [smem:$0x3FFD];
	_ =	sdelay $0x3  }
0x94: {  	_ =	strace s2  }
0x95: {  	_ =	strace $0x8FFFFFFF  }
0x96: {  	s18 =	sld [smem:$0x3FDB];
	_ =	sdelay $0x1  }
0x97: {  	s3 =	simm.s32 $_scs_section_size  }
0x98: {  	s4 =	simm.s32 $_size__tile_overlayer_lowered;
	s5 =	simm.s32 $_tile_overlayer_lowered  }
0x99: {  	s21 =	simm.s32 $0x1BFF;
	s20 =	sshll.u32 s5, $0x1;
	s2 =	sadd.s32 s3, s18  }
0x9a: {  	s6 =	simm.s32 $0x0;
	s19 =	sshll.u32 s4, $0x1;
	s4 =	sadd.s32 s20, s2  }
0x9b: {  	[timem:s6], [sflag:s21] =	dma.local [hbm:s4], s19  }
0x9c: {  	_ =	swait.ge [sflag:s21], s19  }
0x9d: {  	s3 =	ssub.s32 $0x0, s19;
	[sflag:s21] =	ssyncset.done $0x0  }
0x9e: {  	[sflag:s21] =	ssyncadd.s32 s3;
	_ =	sdelay $0x1  }
0x9f: {  	s22 =	simm.s32 $0x1B8B  }
0xa0: {  	_ =	swait.ge [sflag:s22], $0x1  }
0xa1: {  	[sflag:s22] =	ssyncset.done $0x0  }
0xa2: {  	s23 =	simm.s32 $0x1B8E;
	[sflag:s22] =	ssyncadd.s32 $0xFFFFFFFF  }
0xa3: {  	s24 =	simm.s32 $execute0_lowered;
	[smem:$0x3FD2] =	sst s23  }
0xa4: {  	s3 =	sshll.u32 s24, $0x1;
	_ =	strace $0x80000046;
	[dreg:$0x1] =	wrdreg $0xFFFFFFFF  }
0xa5: {  	s25 =	simm.s32 $_size_execute0_lowered;
	s2 =	sadd.s32 s2, s3;
	[dreg:$0x0] =	wrdreg $0x0  }
0xa6: {  	s3 =	sshll.u32 s25, $0x1;
	[dreg:$0x2] =	wrdreg s2  }
0xa7: {  	[dreg:$0x3] =	wrdreg s3  }
0xa8: {  	[dreg:$0x4] =	wrdreg $0xC0  }
0xa9: {  	_ =	task [dreg:s6], $0x5FFFF  }
0xaa: {  	[dreg:$0x1] =	wrdreg $0xFFFFFFFF  }
0xab: {  	[dreg:$0x0] =	wrdreg $0x60  }
0xac: {  	[dreg:$0x2] =	wrdreg s0  }
0xad: {  	[dreg:$0x3] =	wrdreg s17  }
0xae: {  	[dreg:$0x4] =	wrdreg $0x9  }
0xaf: {  	_ =	task.clear_ibuf [dreg:s6], $0x5FFFF;
	_ =	strace $0x90000046  }
0xb0: {  	s26 =	simm.s32 $0x9;
	_ =	strace $0x80000048  }
0xb1: {  	_ =	swait.ge [sflag:s26], $0x1  }
0xb2: {  	[sflag:s26] =	ssyncadd.s32 $0xFFFFFFFF  }
0xb3: {  	_ =	strace $0x90000048  }
0xb4: {  	_ =	sfence  }
0xb5: {  	s28 =	sld [smem:$0x0];
	_ =	sdelay $0x1  }
0xb6: {  	s29 =	srdreg.scid  }
0xb7: {  	s30 =	sshll.u32 s29, $0xD;
	s31 =	sshrl.u32 s29, $0x2  }
0xb8: {  	s1 =	sand.u32 $0x1, s29;
	s2 =	sand.u32 $0x4000, s30;
	s0 =	sadd.s32 s31, s28  }
0xb9: {  	s1 =	sor.u32 s2, s1;
	s0 =	sshll.u32 s0, $0x11  }
0xba: {  	s0 =	sor.u32 s0, s1  }
0xbb: {  	s0 =	sadd.s32 $0x8F2B, s0  }
0xbc: {  	[sflag:s0] =	ssyncadd.remote.s32 $0x1  }
0xbd: {  	_ =	sfence.sel $0xFFFF  }
0xbe: {  	[dreg:$0x0] =	wrdreg $0xFFFFFFFF;
	(pc) =	sbr.abs _section_cstart, $3  }
0xbf: {  	[dreg:$0x1] =	wrdreg $0xFFFFFFFF  }
0xc0: {  	_ =	task.clear_ibuf [dreg:s6], $0x2FFFF;
	_ =	strace $0x9FFFFFFF  }
0xc1: {  	(tm) =	ssettm $0x7FFFFFFF  }
tec
execute0_lowered:
.L_overlay_start_1:
0x0: {  	(tag) =	ssettag $0x1  }
0x1: {  	s2 =	rddreg [dreg:$0x0]  }
0x2: {  	s1 =	rddreg [dreg:$0x1];
	s3 =	stileid.u32  }
0x3: {  	s0 =	rddreg [dreg:$0x2];
	_ =	strace $0x80000047;
	p0 =	sne.s32 s3, $0x0  }
0x4: {  	_ =	sfence.sel @p0 $0x180000  }
0x5: {  	[bflag:$0x0] =	sbarrier.arrive @p0 $0xFFFF  }
0x6: {  	_ =	strace @p0 $0x90000047  }
0x7: {  	[bflag:$0x2] =	sbarrier.arrive @p0 $0xFFFF  }
0x8: {  	_ =	shalt @p0  }
.LBB2_1:
0x9: {  	s3 =	simm.s32 $0x0;
	s31 =	simm.s32 $0x1  }
0xa: {  	[tilespmem:s3], [sflag:$0x1] =	stream.linear.gather [hbm4b:s2+s3], $0x800, $0x38;
	[tilespmem:$0x900] =	vst v63  }
0xb: {  	_ =	swait.ge [sflag:s31], $0x800  }
0xc: {  	[sflag:s31] =	ssyncset.done $0x0  }
0xd: {  	v0 =	vimm.s32 $0x0;
	[sflag:s31] =	ssyncadd.s32 $0xFFFFF800  }
0xe: {  	[tilespmem:$0x800] =	vst v0  }
0xf: {  	[tilespmem:$0x880] =	vst v0  }
0x10: {  	[tilespmem:$0x810] =	vst v0  }
0x11: {  	[tilespmem:$0x890] =	vst v0  }
0x12: {  	[tilespmem:$0x820] =	vst v0  }
0x13: {  	[tilespmem:$0x8A0] =	vst v0  }
0x14: {  	[tilespmem:$0x830] =	vst v0  }
0x15: {  	s4 =	simm.s32 $0x0;
	s2 =	simm.s32 $0x800;
	s3 =	simm.s32 $0x40;
	[tilespmem:$0x8B0] =	vst v0;
	v0 =	vimm.s32 $0x1  }
.LBB2_2:
0x16: {  	p0 =	sne.s32 s3, $0x1FC0;
	v1 =	vld [tilespmem:s4+$0x0];
	_ =	sdelay $0x3  }
.Ltmp0:
0x17: {  	(pc) =	sbr.rel @p0 .LBB2_2-.Ltmp0, $2  }
0x18: {  	_ =	sdelay $0x2  }
0x19: {  	s4 =	sshra.s32 s3, $0x2;
	s3 =	sadd.s32 $0x40, s3;
	[tilespmem:v1+s2+$0x0] =	vst.idx.msk $0xffff, v0  }
0x1a: {  	v1 =	vld [tilespmem:s4+$0x0];
	_ =	sdelay $0x7  }
0x1b: {  	[tilespmem:v1+s2+$0x0] =	vst.idx.msk $0xffff, v0  }
0x1c: {  	v0 =	vld [tilespmem:$0x800];
	_ =	sdelay $0x4  }
0x1d: {  	(xrf0) =	vadd.scan.msk.s32 $0xffff, v0;
	_ =	sdelay $0x5  }
0x1e: {  	vm0 =	vgt.s32 v0, $0x0;
	v52, _, _ =	vpop (xrf0)  }
0x1f: {  	v53 =	vadd.s32 $0xFFFFFFFF, v52;
	_ =	sdelay $0x3  }
0x20: {  	v2 =	vlaneseq.u32;
	s26 =	simm.s32 $0x880  }
0x21: {  	[tilespmem:v53+s26+$0x0] =	vst.idx.msk vm0, v2  }
0x22: {  	v3 =	vld [tilespmem:$0x810];
	_ =	sdelay $0x4  }
0x23: {  	(xrf0) =	vadd.scan.msk.s32 $0xffff, v3;
	_ =	sdelay $0x4  }
0x24: {  	v0 =	vbroadcast v53, $0xF  }
0x25: {  	(v2sf) =	vpush v52, $0xF;
	vm13 =	vgt.s32 v3, $0x0;
	v54, _, _ =	vpop (xrf0)  }
0x26: {  	v0 =	vadd.s32 v54, v0;
	(v2sf) =	vpush v54, $0xF;
	_ =	sdelay $0x3  }
0x27: {  	v55 =	vor.u32 $0x10, v2  }
0x28: {  	[tilespmem:v0+s26+$0x0] =	vst.idx.msk vm13, v55  }
0x29: {  	v0 =	vld [tilespmem:$0x820];
	_ =	sdelay $0x4  }
0x2a: {  	(xrf0) =	vadd.scan.msk.s32 $0xffff, v0;
	_ =	sdelay $0x2  }
0x2b: {  	s3 =	spop (v2sf)  }
0x2c: {  	s28 =	spop (v2sf)  }
0x2d: {  	s3 =	sadd.s32 s3, s28  }
0x2e: {  	v56, _, _ =	vpop (xrf0);
	v57 =	vmov s3  }
0x2f: {  	v3 =	vadd.s32 $0xFFFFFFFF, v57;
	(v2sf) =	vpush v56, $0xF  }
0x30: {  	v3 =	vbroadcast v3, $0x0  }
0x31: {  	vm14 =	vgt.s32 v0, $0x0  }
0x32: {  	v58 =	vadd.s32 v56, v3;
	_ =	sdelay $0x3  }
0x33: {  	v59 =	vor.u32 $0x20, v2  }
0x34: {  	[tilespmem:v58+s26+$0x0] =	vst.idx.msk vm14, v59  }
0x35: {  	v0 =	vld [tilespmem:$0x830];
	_ =	sdelay $0x4  }
0x36: {  	(xrf0) =	vadd.scan.msk.s32 $0xffff, v0  }
0x37: {  	s29 =	spop (v2sf)  }
0x38: {  	s3 =	sadd.s32 s3, s29  }
0x39: {  	v60 =	vmov s3  }
0x3a: {  	v1 =	vadd.s32 $0xFFFFFFFF, v60  }
0x3b: {  	v1 =	vbroadcast v1, $0x0  }
0x3c: {  	vm15 =	vgt.s32 v0, $0x0;
	v61, _, _ =	vpop (xrf0)  }
0x3d: {  	v62 =	vadd.s32 v61, v1;
	_ =	sdelay $0x3  }
0x3e: {  	v63 =	vor.u32 $0x30, v2  }
0x3f: {  	s30 =	simm.s32 $0x0;
	s31 =	simm.s32 $0x1;
	[tilespmem:v62+s26+$0x0] =	vst.idx.msk vm15, v63  }
0x40: {  	[hbm4b:s1+s30] =	stream.linear.scatter [tilespmem:s26], [sflag:$0x1], $0x80, $0x38;
	[tilespmem:$0x900] =	vst v63  }
0x41: {  	_ =	swait.ge [sflag:s31], $0x80  }
0x42: {  	[sflag:s31] =	ssyncset.done $0x0  }
0x43: {  	[sflag:s31] =	ssyncadd.s32 $0xFFFFFF80  }
0x44: {  	_ =	sfence.sel $0x180000  }
0x45: {  	[bflag:$0x0] =	sbarrier.arrive $0xFFFF  }
0x46: {  	_ =	strace $0x90000047  }
0x47: {  	s0 =	sadd.s32 $0x100000, s0;
	[bflag:$0x2] =	sbarrier.arrive $0xFFFF  }
0x48: {  	[sflag:s0] =	ssyncadd.tile.s32 $0x1;
	_ =	shalt  }
.Lfunc_end2:
_tile_overlayer_lowered:
.L_overlay_start_2:
0x49: {  	(tag) =	ssettag $0x2  }
0x4a: {  	s0 =	rddreg [dreg:$0x0];
	s2 =	stileid.u32  }
0x4b: {  	s1 =	rddreg [dreg:$0x1];
	p0 =	sne.s32 s2, $0x0  }
0x4c: {  	s3 =	rddreg [dreg:$0x2];
	[bflag:$0x3] =	sbarrier.arrive $0xFFFF;
	s2 =	simm.s32 @!p0 $0x1C01  }
0x4d: {  	[timem:s3], [sflag:s2] =	dma.local @!p0 [hbm:s0], s1  }
0x4e: {  	s0 =	simm.s32 @!p0 $0x1  }
0x4f: {  	_ =	swait.ge @!p0 [sflag:s0], s1  }
0x50: {  	s1 =	ssub.s32 @!p0 $0x0, s1;
	[sflag:s0] =	ssyncset.done @!p0 $0x0  }
0x51: {  	[sflag:s0] =	ssyncadd.s32 @!p0 s1  }
0x52: {  	[bflag:$0x3] =	sbarrier.arrive $0xFFFF  }
0x53: {  	_ =	shalt  }

</sc_bundles>
